<compile_context>
chip_gen: v7x
topology: tpu7x:2x2x1
jax: 0.10.2.dev20260603
libtpu: 0.0.44.dev20260713+nightly
codegen_flags: <defaults>
</compile_context>

<pallas_src>
import functools

import jax
import jax.numpy as jnp
from jax import lax
from jax.experimental import pallas as pl
from jax.experimental.pallas import tpu as pltpu
from jax.experimental.pallas import tpu_sc as plsc

H, W, C = 64, 64, 3
B = 64
BUF = 50
NB = BUF - 1
NSUB = 16
I_PER_W = 2
SPW = BUF + 2 * NSUB - 1
STG = 6

_mesh = plsc.VectorSubcoreMesh(core_axis_name="c", subcore_axis_name="s")


@functools.partial(
    pl.kernel,
    mesh=_mesh,
    out_type=jax.ShapeDtypeStruct((B * BUF, C, H, W), jnp.float32),
    scratch_types=[
        pltpu.VMEM_SHARED((SPW, C, H, W), jnp.float32),
        pltpu.SemaphoreType.DMA,
    ],
)
def _fifo_copy(x_hbm, buf_hbm, out_hbm, spm, sem_out):
    cid = lax.axis_index("c")
    sid = lax.axis_index("s")
    base = cid * (NSUB * I_PER_W)

    off = NB - base
    kb = (off + STG - 1) // STG

    @pl.when(sid < kb)
    def _stage_from_buf():
        rb = jnp.minimum(sid * STG, off - STG)
        pltpu.sync_copy(buf_hbm.at[pl.ds(base + rb + 1, STG)],
                        spm.at[pl.ds(rb, STG)])

    @pl.when(sid >= kb)
    def _stage_from_x():
        rx = jnp.minimum((sid - kb) * STG, (SPW - off) - STG)
        pltpu.sync_copy(x_hbm.at[pl.ds(rx, STG)],
                        spm.at[pl.ds(off + rx, STG)])

    plsc.subcore_barrier()

    i0 = (cid * NSUB + sid) * I_PER_W
    HB = BUF // 2
    cps = [
        pltpu.async_copy(spm.at[pl.ds(i0 - base + di + h * HB, HB)],
                         out_hbm.at[pl.ds((i0 + di) * BUF + h * HB, HB)],
                         sem_out)
        for di in range(I_PER_W)
        for h in range(2)
    ]
    for cp in cps:
        cp.wait()


def kernel(x, buffer):
    xt = jnp.transpose(x, (0, 3, 1, 2))
    bt = jnp.transpose(buffer, (0, 3, 1, 2))
    out = _fifo_copy(xt, bt)
    out = out.reshape(B, BUF, C, H, W)
    return jnp.transpose(out, (0, 1, 3, 4, 2))

# --- scband reference (transcript-rebuilt; emitter-appended) ---
"""Pipeline reference for scband-image-buffer-86784109183359 (READ-ONLY COPY).

The authoritative reference and input builder live on the scoring server;
editing this copy changes nothing except your own understanding.
"""

import jax, jax.numpy as jnp
import numpy as np


def setup_inputs(seed: int = 0) -> dict:
    key = jax.random.key(seed)
    x = jax.random.normal(key, (64, 64, 64, 3), dtype=jnp.float32)
    # buffer is the layer's persistent state variable, built as zeros with
    # shape [buffer_size, *feature_shape]
    buffer = jnp.zeros((50, 64, 64, 3), dtype=jnp.float32)
    return {"x": x, "buffer": buffer}


def reference(x, buffer):
    # Faithful translation of ImageBuffer.call: for each item i in the batch,
    # shift the FIFO buffer by one (drop oldest row, append inputs[i]) and
    # record the full buffer state. Output is the stacked per-step buffers:
    # shape [batch, buffer_size, H, W, C].
    def step(buf, xi):
        new_buf = jnp.concatenate([buf[1:], xi[None, ...]], axis=0)
        return new_buf, new_buf

    _, outs = jax.lax.scan(step, buffer, x)
    return outs

if __name__ == "__main__":
    import jax
    _d = setup_inputs()
    print(jax.jit(kernel)(*tuple(_d.values())))

</pallas_src>

<mosaic_0001>
#map = affine_map<(d0, d1) -> (0, 0, 0, 0)>
module attributes {stable_mosaic.version = 14 : i64} {
  func.func @_fifo_copy(%arg0: i32, %arg1: i32, %arg2: memref<64x3x64x64xf32, #tpu.memory_space<hbm>>, %arg3: memref<50x3x64x64xf32, #tpu.memory_space<hbm>>, %arg4: memref<3200x3x64x64xf32, #tpu.memory_space<hbm>>, %arg5: memref<81x3x64x64xf32, #tpu.memory_space<vmem_shared>>, %arg6: memref<!tpu.dma_semaphore, #tpu.memory_space<semaphore_mem>>) attributes {dimension_semantics = [#tpu.dimension_semantics<core_parallel>, #tpu.dimension_semantics<subcore_parallel>], iteration_bounds = array<i64: 2, 16>, scalar_prefetch = 0 : i64, scratch_operands = 2 : i64, tpu.core_type = #tpu.core_type<sc_vector_subcore>, window_params = [{transform_indices = #map}, {transform_indices = #map}, {transform_indices = #map}]} {
    %mul3A = arith.constant 32 : i32
    %mul3A_0 = arith.muli %arg0, %mul3A : i32
    %sub3A = arith.constant 49 : i32
    %sub3A_1 = arith.subi %sub3A, %mul3A_0 : i32
    %add3A = arith.constant 6 : i32
    %add3A_2 = arith.addi %sub3A_1, %add3A : i32
    %sub3A_3 = arith.constant 1 : i32
    %sub3A_4 = arith.subi %add3A_2, %sub3A_3 : i32
    %jit3A = arith.constant 6 : i32
    %div3A = arith.divsi %sub3A_4, %jit3A : i32
    %sign3A = arith.constant 0 : i32
    %sign3A_5 = arith.cmpi sgt, %sub3A_4, %sign3A : i32
    %sign3A_6 = arith.extui %sign3A_5 : i1 to i32
    %sign3A_7 = arith.constant 0 : i32
    %sign3A_8 = arith.cmpi slt, %sub3A_4, %sign3A_7 : i32
    %sign3A_9 = arith.extui %sign3A_8 : i1 to i32
    %sign3A_10 = arith.subi %sign3A_6, %sign3A_9 : i32
    %sign3A_11 = arith.constant 0 : i32
    %sign3A_12 = arith.cmpi sgt, %jit3A, %sign3A_11 : i32
    %sign3A_13 = arith.extui %sign3A_12 : i1 to i32
    %sign3A_14 = arith.constant 0 : i32
    %sign3A_15 = arith.cmpi slt, %jit3A, %sign3A_14 : i32
    %sign3A_16 = arith.extui %sign3A_15 : i1 to i32
    %sign3A_17 = arith.subi %sign3A_13, %sign3A_16 : i32
    %ne3A = arith.cmpi ne, %sign3A_10, %sign3A_17 : i32
    %rem3A = arith.remsi %sub3A_4, %jit3A : i32
    %ne3A_18 = arith.constant 0 : i32
    %ne3A_19 = arith.cmpi ne, %rem3A, %ne3A_18 : i32
    %and3A = arith.andi %ne3A, %ne3A_19 : i1
    %sub3A_20 = arith.constant 1 : i32
    %sub3A_21 = arith.subi %div3A, %sub3A_20 : i32
    %select_n3A = arith.select %and3A, %sub3A_21, %div3A : i32
    %lt3A = arith.cmpi slt, %arg1, %select_n3A : i32
    %convert_element_type3A = arith.extui %lt3A : i1 to i32
    %cond3A = arith.constant 0 : i32
    %cond3A_22 = arith.cmpi ne, %convert_element_type3A, %cond3A : i32
    scf.if %cond3A_22 {
      %mul3A_137 = arith.constant 6 : i32
      %mul3A_138 = arith.muli %arg1, %mul3A_137 : i32
      %sub3A_139 = arith.constant 6 : i32
      %sub3A_140 = arith.subi %sub3A_1, %sub3A_139 : i32
      %min3A = arith.minsi %mul3A_138, %sub3A_140 : i32
      %add3A_141 = arith.addi %mul3A_0, %min3A : i32
      %add3A_142 = arith.constant 1 : i32
      %add3A_143 = arith.addi %add3A_141, %add3A_142 : i32
      "tpu.region"() ({
        %run_scoped3A = tpu.sem_alloc : memref<!tpu.dma_semaphore, #tpu.memory_space<semaphore_mem>>
        %dma_start3A_144 = arith.constant 0 : i32
        %dma_start3A_145 = arith.constant 0 : i32
        %dma_start3A_146 = arith.constant 0 : i32
        %dma_start3A_147 = tpu.memref_slice %arg5[%min3A, %dma_start3A_144, %dma_start3A_145, %dma_start3A_146] : memref<81x3x64x64xf32, #tpu.memory_space<vmem_shared>> -> memref<6x3x64x64xf32, #tpu.memory_space<vmem_shared>>
        %dma_start3A_148 = arith.constant 0 : i32
        %dma_start3A_149 = arith.constant 0 : i32
        %dma_start3A_150 = arith.constant 0 : i32
        %dma_start3A_151 = tpu.memref_slice %arg3[%add3A_143, %dma_start3A_148, %dma_start3A_149, %dma_start3A_150] : memref<50x3x64x64xf32, #tpu.memory_space<hbm>> -> memref<6x3x64x64xf32, #tpu.memory_space<hbm>>
        tpu.enqueue_dma source(%dma_start3A_151 : memref<6x3x64x64xf32, #tpu.memory_space<hbm>>) target(%dma_start3A_147 : memref<6x3x64x64xf32, #tpu.memory_space<vmem_shared>>) target_semaphore(%run_scoped3A : memref<!tpu.dma_semaphore, #tpu.memory_space<semaphore_mem>>)
        %dma_wait3A_152 = arith.constant 0 : i32
        %dma_wait3A_153 = arith.constant 0 : i32
        %dma_wait3A_154 = arith.constant 0 : i32
        %dma_wait3A_155 = tpu.memref_slice %arg5[%min3A, %dma_wait3A_152, %dma_wait3A_153, %dma_wait3A_154] : memref<81x3x64x64xf32, #tpu.memory_space<vmem_shared>> -> memref<6x3x64x64xf32, #tpu.memory_space<vmem_shared>>
        %dma_wait3A_156 = arith.constant 0 : i32
        %dma_wait3A_157 = arith.constant 0 : i32
        %dma_wait3A_158 = arith.constant 0 : i32
        %dma_wait3A_159 = tpu.memref_slice %arg3[%add3A_143, %dma_wait3A_156, %dma_wait3A_157, %dma_wait3A_158] : memref<50x3x64x64xf32, #tpu.memory_space<hbm>> -> memref<6x3x64x64xf32, #tpu.memory_space<hbm>>
        tpu.wait_dma2 semaphore(%run_scoped3A : memref<!tpu.dma_semaphore, #tpu.memory_space<semaphore_mem>>) src(%dma_wait3A_159 : memref<6x3x64x64xf32, #tpu.memory_space<hbm>>) dst(%dma_wait3A_155 : memref<6x3x64x64xf32, #tpu.memory_space<vmem_shared>>)
        tpu.yield
      }) : () -> ()
    } else {
    }
    %ge3A = arith.cmpi sge, %arg1, %select_n3A : i32
    %convert_element_type3A_23 = arith.extui %ge3A : i1 to i32
    %cond3A_24 = arith.constant 0 : i32
    %cond3A_25 = arith.cmpi ne, %convert_element_type3A_23, %cond3A_24 : i32
    scf.if %cond3A_25 {
      %sub3A_137 = arith.subi %arg1, %select_n3A : i32
      %mul3A_138 = arith.constant 6 : i32
      %mul3A_139 = arith.muli %sub3A_137, %mul3A_138 : i32
      %sub3A_140 = arith.constant 81 : i32
      %sub3A_141 = arith.subi %sub3A_140, %sub3A_1 : i32
      %sub3A_142 = arith.constant 6 : i32
      %sub3A_143 = arith.subi %sub3A_141, %sub3A_142 : i32
      %min3A = arith.minsi %mul3A_139, %sub3A_143 : i32
      %add3A_144 = arith.addi %sub3A_1, %min3A : i32
      "tpu.region"() ({
        %run_scoped3A = tpu.sem_alloc : memref<!tpu.dma_semaphore, #tpu.memory_space<semaphore_mem>>
        %dma_start3A_145 = arith.constant 0 : i32
        %dma_start3A_146 = arith.constant 0 : i32
        %dma_start3A_147 = arith.constant 0 : i32
        %dma_start3A_148 = tpu.memref_slice %arg5[%add3A_144, %dma_start3A_145, %dma_start3A_146, %dma_start3A_147] : memref<81x3x64x64xf32, #tpu.memory_space<vmem_shared>> -> memref<6x3x64x64xf32, #tpu.memory_space<vmem_shared>>
        %dma_start3A_149 = arith.constant 0 : i32
        %dma_start3A_150 = arith.constant 0 : i32
        %dma_start3A_151 = arith.constant 0 : i32
        %dma_start3A_152 = tpu.memref_slice %arg2[%min3A, %dma_start3A_149, %dma_start3A_150, %dma_start3A_151] : memref<64x3x64x64xf32, #tpu.memory_space<hbm>> -> memref<6x3x64x64xf32, #tpu.memory_space<hbm>>
        tpu.enqueue_dma source(%dma_start3A_152 : memref<6x3x64x64xf32, #tpu.memory_space<hbm>>) target(%dma_start3A_148 : memref<6x3x64x64xf32, #tpu.memory_space<vmem_shared>>) target_semaphore(%run_scoped3A : memref<!tpu.dma_semaphore, #tpu.memory_space<semaphore_mem>>)
        %dma_wait3A_153 = arith.constant 0 : i32
        %dma_wait3A_154 = arith.constant 0 : i32
        %dma_wait3A_155 = arith.constant 0 : i32
        %dma_wait3A_156 = tpu.memref_slice %arg5[%add3A_144, %dma_wait3A_153, %dma_wait3A_154, %dma_wait3A_155] : memref<81x3x64x64xf32, #tpu.memory_space<vmem_shared>> -> memref<6x3x64x64xf32, #tpu.memory_space<vmem_shared>>
        %dma_wait3A_157 = arith.constant 0 : i32
        %dma_wait3A_158 = arith.constant 0 : i32
        %dma_wait3A_159 = arith.constant 0 : i32
        %dma_wait3A_160 = tpu.memref_slice %arg2[%min3A, %dma_wait3A_157, %dma_wait3A_158, %dma_wait3A_159] : memref<64x3x64x64xf32, #tpu.memory_space<hbm>> -> memref<6x3x64x64xf32, #tpu.memory_space<hbm>>
        tpu.wait_dma2 semaphore(%run_scoped3A : memref<!tpu.dma_semaphore, #tpu.memory_space<semaphore_mem>>) src(%dma_wait3A_160 : memref<6x3x64x64xf32, #tpu.memory_space<hbm>>) dst(%dma_wait3A_156 : memref<6x3x64x64xf32, #tpu.memory_space<vmem_shared>>)
        tpu.yield
      }) : () -> ()
    } else {
    }
    %barrier3A = arith.constant 0 : index
    tpu.barrier barrier_id(%barrier3A)
    %mul3A_26 = arith.constant 16 : i32
    %mul3A_27 = arith.muli %arg0, %mul3A_26 : i32
    %add3A_28 = arith.addi %mul3A_27, %arg1 : i32
    %mul3A_29 = arith.constant 2 : i32
    %mul3A_30 = arith.muli %add3A_28, %mul3A_29 : i32
    %sub3A_31 = arith.subi %mul3A_30, %mul3A_0 : i32
    %add3A_32 = arith.constant 0 : i32
    %add3A_33 = arith.addi %sub3A_31, %add3A_32 : i32
    %add3A_34 = arith.constant 0 : i32
    %add3A_35 = arith.addi %add3A_33, %add3A_34 : i32
    %add3A_36 = arith.constant 0 : i32
    %add3A_37 = arith.addi %mul3A_30, %add3A_36 : i32
    %mul3A_38 = arith.constant 50 : i32
    %mul3A_39 = arith.muli %add3A_37, %mul3A_38 : i32
    %add3A_40 = arith.constant 0 : i32
    %add3A_41 = arith.addi %mul3A_39, %add3A_40 : i32
    %dma_start3A = arith.constant 0 : i32
    %dma_start3A_42 = arith.constant 0 : i32
    %dma_start3A_43 = arith.constant 0 : i32
    %dma_start3A_44 = tpu.memref_slice %arg4[%add3A_41, %dma_start3A, %dma_start3A_42, %dma_start3A_43] : memref<3200x3x64x64xf32, #tpu.memory_space<hbm>> -> memref<25x3x64x64xf32, #tpu.memory_space<hbm>>
    %dma_start3A_45 = arith.constant 0 : i32
    %dma_start3A_46 = arith.constant 0 : i32
    %dma_start3A_47 = arith.constant 0 : i32
    %dma_start3A_48 = tpu.memref_slice %arg5[%add3A_35, %dma_start3A_45, %dma_start3A_46, %dma_start3A_47] : memref<81x3x64x64xf32, #tpu.memory_space<vmem_shared>> -> memref<25x3x64x64xf32, #tpu.memory_space<vmem_shared>>
    tpu.enqueue_dma source(%dma_start3A_48 : memref<25x3x64x64xf32, #tpu.memory_space<vmem_shared>>) target(%dma_start3A_44 : memref<25x3x64x64xf32, #tpu.memory_space<hbm>>) target_semaphore(%arg6 : memref<!tpu.dma_semaphore, #tpu.memory_space<semaphore_mem>>)
    %sub3A_49 = arith.subi %mul3A_30, %mul3A_0 : i32
    %add3A_50 = arith.constant 0 : i32
    %add3A_51 = arith.addi %sub3A_49, %add3A_50 : i32
    %add3A_52 = arith.constant 25 : i32
    %add3A_53 = arith.addi %add3A_51, %add3A_52 : i32
    %add3A_54 = arith.constant 0 : i32
    %add3A_55 = arith.addi %mul3A_30, %add3A_54 : i32
    %mul3A_56 = arith.constant 50 : i32
    %mul3A_57 = arith.muli %add3A_55, %mul3A_56 : i32
    %add3A_58 = arith.constant 25 : i32
    %add3A_59 = arith.addi %mul3A_57, %add3A_58 : i32
    %dma_start3A_60 = arith.constant 0 : i32
    %dma_start3A_61 = arith.constant 0 : i32
    %dma_start3A_62 = arith.constant 0 : i32
    %dma_start3A_63 = tpu.memref_slice %arg4[%add3A_59, %dma_start3A_60, %dma_start3A_61, %dma_start3A_62] : memref<3200x3x64x64xf32, #tpu.memory_space<hbm>> -> memref<25x3x64x64xf32, #tpu.memory_space<hbm>>
    %dma_start3A_64 = arith.constant 0 : i32
    %dma_start3A_65 = arith.constant 0 : i32
    %dma_start3A_66 = arith.constant 0 : i32
    %dma_start3A_67 = tpu.memref_slice %arg5[%add3A_53, %dma_start3A_64, %dma_start3A_65, %dma_start3A_66] : memref<81x3x64x64xf32, #tpu.memory_space<vmem_shared>> -> memref<25x3x64x64xf32, #tpu.memory_space<vmem_shared>>
    tpu.enqueue_dma source(%dma_start3A_67 : memref<25x3x64x64xf32, #tpu.memory_space<vmem_shared>>) target(%dma_start3A_63 : memref<25x3x64x64xf32, #tpu.memory_space<hbm>>) target_semaphore(%arg6 : memref<!tpu.dma_semaphore, #tpu.memory_space<semaphore_mem>>)
    %sub3A_68 = arith.subi %mul3A_30, %mul3A_0 : i32
    %add3A_69 = arith.constant 1 : i32
    %add3A_70 = arith.addi %sub3A_68, %add3A_69 : i32
    %add3A_71 = arith.constant 0 : i32
    %add3A_72 = arith.addi %add3A_70, %add3A_71 : i32
    %add3A_73 = arith.constant 1 : i32
    %add3A_74 = arith.addi %mul3A_30, %add3A_73 : i32
    %mul3A_75 = arith.constant 50 : i32
    %mul3A_76 = arith.muli %add3A_74, %mul3A_75 : i32
    %add3A_77 = arith.constant 0 : i32
    %add3A_78 = arith.addi %mul3A_76, %add3A_77 : i32
    %dma_start3A_79 = arith.constant 0 : i32
    %dma_start3A_80 = arith.constant 0 : i32
    %dma_start3A_81 = arith.constant 0 : i32
    %dma_start3A_82 = tpu.memref_slice %arg4[%add3A_78, %dma_start3A_79, %dma_start3A_80, %dma_start3A_81] : memref<3200x3x64x64xf32, #tpu.memory_space<hbm>> -> memref<25x3x64x64xf32, #tpu.memory_space<hbm>>
    %dma_start3A_83 = arith.constant 0 : i32
    %dma_start3A_84 = arith.constant 0 : i32
    %dma_start3A_85 = arith.constant 0 : i32
    %dma_start3A_86 = tpu.memref_slice %arg5[%add3A_72, %dma_start3A_83, %dma_start3A_84, %dma_start3A_85] : memref<81x3x64x64xf32, #tpu.memory_space<vmem_shared>> -> memref<25x3x64x64xf32, #tpu.memory_space<vmem_shared>>
    tpu.enqueue_dma source(%dma_start3A_86 : memref<25x3x64x64xf32, #tpu.memory_space<vmem_shared>>) target(%dma_start3A_82 : memref<25x3x64x64xf32, #tpu.memory_space<hbm>>) target_semaphore(%arg6 : memref<!tpu.dma_semaphore, #tpu.memory_space<semaphore_mem>>)
    %sub3A_87 = arith.subi %mul3A_30, %mul3A_0 : i32
    %add3A_88 = arith.constant 1 : i32
    %add3A_89 = arith.addi %sub3A_87, %add3A_88 : i32
    %add3A_90 = arith.constant 25 : i32
    %add3A_91 = arith.addi %add3A_89, %add3A_90 : i32
    %add3A_92 = arith.constant 1 : i32
    %add3A_93 = arith.addi %mul3A_30, %add3A_92 : i32
    %mul3A_94 = arith.constant 50 : i32
    %mul3A_95 = arith.muli %add3A_93, %mul3A_94 : i32
    %add3A_96 = arith.constant 25 : i32
    %add3A_97 = arith.addi %mul3A_95, %add3A_96 : i32
    %dma_start3A_98 = arith.constant 0 : i32
    %dma_start3A_99 = arith.constant 0 : i32
    %dma_start3A_100 = arith.constant 0 : i32
    %dma_start3A_101 = tpu.memref_slice %arg4[%add3A_97, %dma_start3A_98, %dma_start3A_99, %dma_start3A_100] : memref<3200x3x64x64xf32, #tpu.memory_space<hbm>> -> memref<25x3x64x64xf32, #tpu.memory_space<hbm>>
    %dma_start3A_102 = arith.constant 0 : i32
    %dma_start3A_103 = arith.constant 0 : i32
    %dma_start3A_104 = arith.constant 0 : i32
    %dma_start3A_105 = tpu.memref_slice %arg5[%add3A_91, %dma_start3A_102, %dma_start3A_103, %dma_start3A_104] : memref<81x3x64x64xf32, #tpu.memory_space<vmem_shared>> -> memref<25x3x64x64xf32, #tpu.memory_space<vmem_shared>>
    tpu.enqueue_dma source(%dma_start3A_105 : memref<25x3x64x64xf32, #tpu.memory_space<vmem_shared>>) target(%dma_start3A_101 : memref<25x3x64x64xf32, #tpu.memory_space<hbm>>) target_semaphore(%arg6 : memref<!tpu.dma_semaphore, #tpu.memory_space<semaphore_mem>>)
    %dma_wait3A = arith.constant 0 : i32
    %dma_wait3A_106 = arith.constant 0 : i32
    %dma_wait3A_107 = arith.constant 0 : i32
    %dma_wait3A_108 = tpu.memref_slice %arg4[%add3A_41, %dma_wait3A, %dma_wait3A_106, %dma_wait3A_107] : memref<3200x3x64x64xf32, #tpu.memory_space<hbm>> -> memref<25x3x64x64xf32, #tpu.memory_space<hbm>>
    %dma_wait3A_109 = arith.constant 0 : i32
    %dma_wait3A_110 = arith.constant 0 : i32
    %dma_wait3A_111 = arith.constant 0 : i32
    %dma_wait3A_112 = tpu.memref_slice %arg5[%add3A_35, %dma_wait3A_109, %dma_wait3A_110, %dma_wait3A_111] : memref<81x3x64x64xf32, #tpu.memory_space<vmem_shared>> -> memref<25x3x64x64xf32, #tpu.memory_space<vmem_shared>>
    tpu.wait_dma2 semaphore(%arg6 : memref<!tpu.dma_semaphore, #tpu.memory_space<semaphore_mem>>) src(%dma_wait3A_112 : memref<25x3x64x64xf32, #tpu.memory_space<vmem_shared>>) dst(%dma_wait3A_108 : memref<25x3x64x64xf32, #tpu.memory_space<hbm>>)
    %dma_wait3A_113 = arith.constant 0 : i32
    %dma_wait3A_114 = arith.constant 0 : i32
    %dma_wait3A_115 = arith.constant 0 : i32
    %dma_wait3A_116 = tpu.memref_slice %arg4[%add3A_59, %dma_wait3A_113, %dma_wait3A_114, %dma_wait3A_115] : memref<3200x3x64x64xf32, #tpu.memory_space<hbm>> -> memref<25x3x64x64xf32, #tpu.memory_space<hbm>>
    %dma_wait3A_117 = arith.constant 0 : i32
    %dma_wait3A_118 = arith.constant 0 : i32
    %dma_wait3A_119 = arith.constant 0 : i32
    %dma_wait3A_120 = tpu.memref_slice %arg5[%add3A_53, %dma_wait3A_117, %dma_wait3A_118, %dma_wait3A_119] : memref<81x3x64x64xf32, #tpu.memory_space<vmem_shared>> -> memref<25x3x64x64xf32, #tpu.memory_space<vmem_shared>>
    tpu.wait_dma2 semaphore(%arg6 : memref<!tpu.dma_semaphore, #tpu.memory_space<semaphore_mem>>) src(%dma_wait3A_120 : memref<25x3x64x64xf32, #tpu.memory_space<vmem_shared>>) dst(%dma_wait3A_116 : memref<25x3x64x64xf32, #tpu.memory_space<hbm>>)
    %dma_wait3A_121 = arith.constant 0 : i32
    %dma_wait3A_122 = arith.constant 0 : i32
    %dma_wait3A_123 = arith.constant 0 : i32
    %dma_wait3A_124 = tpu.memref_slice %arg4[%add3A_78, %dma_wait3A_121, %dma_wait3A_122, %dma_wait3A_123] : memref<3200x3x64x64xf32, #tpu.memory_space<hbm>> -> memref<25x3x64x64xf32, #tpu.memory_space<hbm>>
    %dma_wait3A_125 = arith.constant 0 : i32
    %dma_wait3A_126 = arith.constant 0 : i32
    %dma_wait3A_127 = arith.constant 0 : i32
    %dma_wait3A_128 = tpu.memref_slice %arg5[%add3A_72, %dma_wait3A_125, %dma_wait3A_126, %dma_wait3A_127] : memref<81x3x64x64xf32, #tpu.memory_space<vmem_shared>> -> memref<25x3x64x64xf32, #tpu.memory_space<vmem_shared>>
    tpu.wait_dma2 semaphore(%arg6 : memref<!tpu.dma_semaphore, #tpu.memory_space<semaphore_mem>>) src(%dma_wait3A_128 : memref<25x3x64x64xf32, #tpu.memory_space<vmem_shared>>) dst(%dma_wait3A_124 : memref<25x3x64x64xf32, #tpu.memory_space<hbm>>)
    %dma_wait3A_129 = arith.constant 0 : i32
    %dma_wait3A_130 = arith.constant 0 : i32
    %dma_wait3A_131 = arith.constant 0 : i32
    %dma_wait3A_132 = tpu.memref_slice %arg4[%add3A_97, %dma_wait3A_129, %dma_wait3A_130, %dma_wait3A_131] : memref<3200x3x64x64xf32, #tpu.memory_space<hbm>> -> memref<25x3x64x64xf32, #tpu.memory_space<hbm>>
    %dma_wait3A_133 = arith.constant 0 : i32
    %dma_wait3A_134 = arith.constant 0 : i32
    %dma_wait3A_135 = arith.constant 0 : i32
    %dma_wait3A_136 = tpu.memref_slice %arg5[%add3A_91, %dma_wait3A_133, %dma_wait3A_134, %dma_wait3A_135] : memref<81x3x64x64xf32, #tpu.memory_space<vmem_shared>> -> memref<25x3x64x64xf32, #tpu.memory_space<vmem_shared>>
    tpu.wait_dma2 semaphore(%arg6 : memref<!tpu.dma_semaphore, #tpu.memory_space<semaphore_mem>>) src(%dma_wait3A_136 : memref<25x3x64x64xf32, #tpu.memory_space<vmem_shared>>) dst(%dma_wait3A_132 : memref<25x3x64x64xf32, #tpu.memory_space<hbm>>)
    return
  }
}

</mosaic_0001>

<sc_bundles>
// kernel: kernel.3.cloned.1.call-start
scs
__scs_entry_jumppad:
0x0: {  	(pc) =	sbr.rel $0x88, $3  }
0x1: {  	(tag) =	ssettag $0x0;
	lr =	simm.s32 $0x1  }
0x2: {  	[smem:$0x3F9F] =	sst lr;
	_ =	strace $0xD0000000  }
0x3: {  	_ = 	snop  }
0x4: {  	_ = 	snop  }
0x5: {  	_ = 	snop  }
0x6: {  	_ = 	snop  }
0x7: {  	_ = 	snop  }
__scs_overlays_trampoline_lowered:
0x8: {  	[smem:$0x3FAE] =	sst s0  }
0x9: {  	[smem:$0x3FAF] =	sst s1  }
0xa: {  	[smem:$0x3FB0] =	sst s2  }
0xb: {  	[smem:$0x3FB1] =	sst s3  }
0xc: {  	[smem:$0x3FB2] =	sst s4  }
0xd: {  	[smem:$0x3FB3] =	sst s5  }
0xe: {  	[smem:$0x3FB4] =	sst s6  }
0xf: {  	[smem:$0x3FB5] =	sst s7  }
0x10: {  	[smem:$0x3FB6] =	sst s8  }
0x11: {  	[smem:$0x3FB7] =	sst s9;
	s0 =	simm.s32 @!p0 $0x0  }
0x12: {  	s1 =	sld [smem:$0x3F9D];
	s0 =	simm.s32 @p0 $0x1  }
0x13: {  	[smem:$0x3FB8] =	sst s0;
	s0 =	simm.s32 @!p1 $0x0  }
0x14: {  	s2 =	sld [smem:$0x3F9C];
	s0 =	simm.s32 @p1 $0x1  }
0x15: {  	[smem:$0x3FB9] =	sst s0;
	s0 =	simm.s32 @!p2 $0x0  }
0x16: {  	s3 =	sld [smem:$0x3FDB];
	s0 =	simm.s32 @p2 $0x1  }
0x17: {  	s4 =	simm.s32 $0x1BF5;
	[smem:$0x3FBB] =	sst s0  }
0x18: {  	s0 =	sld [smem:$0x3F9E];
	_ =	swait.ge [sflag:s4], $0x0  }
0x19: {  	s7 =	sld [smem:$0x3F9F]  }
0x1a: {  	s8 =	sadd.s32 $0xFFFFE003, lr  }
0x1b: {  	s9 =	sadd.s32 $0xFFFFFEF7, lr;
	s5 =	simm.s32 $0xFFFFFFFF;
	p2 =	slt.u32 s8, $0xFFFFF086  }
0x1c: {  	p1 =	slt.u32 s9, $0xF7A;
	s5 =	simm.s32 @!p2 $0x0  }
0x1d: {  	s5 =	simm.s32 @p1 $0x1;
	p0 =	seq.s32 s7, s2  }
0x1e: {  	s7 =	smul.u32 @!p0 $0xF7A, s2;
	p2 =	seq.s32 @!p0 s5, $0x0  }
0x1f: {  	s9 =	smul.u32 $0xF7A, s1;
	s8 =	simm.s32 @!p0 $0x1BF5;
	p2 =	por !p2, p0  }
0x20: {  	[sflag:s8] =	ssyncset.s32 @!p0 $0xFFFFF086;
	s6 =	sadd.s32 @!p0 s3, s7;
	s7 =	simm.s32 @!p0 $0x108  }
0x21: {  	s3 =	sadd.s32 s3, s9;
	s6 =	sadd.s32 @!p0 $0x88, s6;
	s7 =	simm.s32 @p2 $0x1082  }
0x22: {  	[simem:s7], [sflag:s8] =	dma.local @!p0 [hbm:s6], $0xF7A  }
0x23: {  	s9 =	sor.u32 $0xD0000000, s2;
	s6 =	simm.s32 $0x108;
	_ =	swait.ge @!p0 [sflag:s8], $0x0  }
0x24: {  	s3 =	sadd.s32 $0x88, s3;
	s6 =	simm.s32 @!p1 $0x1082;
	[sflag:s4] =	ssyncset.s32 $0xFFFFF086  }
0x25: {  	[simem:s6], [sflag:s4] =	dma.local [hbm:s3], $0xF7A  }
0x26: {  	[smem:$0x3F9F] =	sst s1;
	(tag) =	ssettag s2;
	_ =	strace s9  }
0x27: {  	s1 =	sld [smem:$0x3FAF]  }
0x28: {  	s2 =	sld [smem:$0x3FB0]  }
0x29: {  	s4 =	sld [smem:$0x3FB2]  }
0x2a: {  	p0 =	seq.s32 s5, $0x0;
	s5 =	sld [smem:$0x3FB3]  }
0x2b: {  	s6 =	sld [smem:$0x3FB4]  }
0x2c: {  	s7 =	sld [smem:$0x3FB5]  }
0x2d: {  	s3 =	simm.s32 $0x108;
	s8 =	sld [smem:$0x3FB6]  }
0x2e: {  	s3 =	simm.s32 @!p0 $0x1082;
	s9 =	sld [smem:$0x3FB7]  }
0x2f: {  	lr =	sadd.s32 s0, s3;
	s0 =	sld [smem:$0x3FAE]  }
0x30: {  	s3 =	sld [smem:$0x3FB1]  }
0x31: {  	[smem:$0x3FBA] =	sst s10  }
0x32: {  	s10 =	sld [smem:$0x3FB8];
	_ =	sdelay $0x3  }
0x33: {  	p0 =	seq.s32 s10, $0x1;
	s10 =	sld [smem:$0x3FBA];
	_ =	sdelay $0x3  }
0x34: {  	[smem:$0x3FBA] =	sst s10  }
0x35: {  	s10 =	sld [smem:$0x3FB9];
	_ =	sdelay $0x3  }
0x36: {  	p1 =	seq.s32 s10, $0x1;
	s10 =	sld [smem:$0x3FBA];
	_ =	sdelay $0x3  }
0x37: {  	[smem:$0x3FBA] =	sst s10  }
0x38: {  	s10 =	sld [smem:$0x3FBB]  }
0x39: {  	_ = 	snop;
	(pc) =	sbr.ind lr, $3  }
0x3a: {  	_ = 	snop  }
0x3b: {  	_ = 	snop  }
0x3c: {  	p2 =	seq.s32 s10, $0x1;
	s10 =	sld [smem:$0x3FBA]  }
0x3d: {  	_ =	shalt  }
0x3e: {  	_ =	shalt  }
0x3f: {  	_ =	shalt  }
0x40: {  	_ =	shalt  }
0x41: {  	_ =	shalt  }
0x42: {  	_ =	shalt  }
0x43: {  	_ =	shalt  }
0x44: {  	_ =	shalt  }
0x45: {  	_ =	shalt  }
0x46: {  	_ =	shalt  }
0x47: {  	_ =	shalt  }
0x48: {  	_ =	shalt  }
0x49: {  	_ =	shalt  }
0x4a: {  	_ =	shalt  }
0x4b: {  	_ =	shalt  }
0x4c: {  	_ =	shalt  }
0x4d: {  	_ =	shalt  }
0x4e: {  	_ =	shalt  }
0x4f: {  	_ =	shalt  }
0x50: {  	_ =	shalt  }
0x51: {  	_ =	shalt  }
0x52: {  	_ =	shalt  }
0x53: {  	_ =	shalt  }
0x54: {  	_ =	shalt  }
0x55: {  	_ =	shalt  }
0x56: {  	_ =	shalt  }
0x57: {  	_ =	shalt  }
0x58: {  	_ =	shalt  }
0x59: {  	_ =	shalt  }
0x5a: {  	_ =	shalt  }
0x5b: {  	_ =	shalt  }
0x5c: {  	_ =	shalt  }
0x5d: {  	_ =	shalt  }
0x5e: {  	_ =	shalt  }
0x5f: {  	_ =	shalt  }
0x60: {  	_ =	shalt  }
0x61: {  	_ =	shalt  }
0x62: {  	_ =	shalt  }
0x63: {  	_ =	shalt  }
0x64: {  	_ =	shalt  }
0x65: {  	_ =	shalt  }
0x66: {  	_ =	shalt  }
0x67: {  	_ =	shalt  }
0x68: {  	_ =	shalt  }
0x69: {  	_ =	shalt  }
0x6a: {  	_ =	shalt  }
0x6b: {  	_ =	shalt  }
0x6c: {  	_ =	shalt  }
0x6d: {  	_ =	shalt  }
0x6e: {  	_ =	shalt  }
0x6f: {  	_ =	shalt  }
0x70: {  	_ =	shalt  }
0x71: {  	_ =	shalt  }
0x72: {  	_ =	shalt  }
0x73: {  	_ =	shalt  }
0x74: {  	_ =	shalt  }
0x75: {  	_ =	shalt  }
0x76: {  	_ =	shalt  }
0x77: {  	_ =	shalt  }
0x78: {  	_ =	shalt  }
0x79: {  	_ =	shalt  }
0x7a: {  	_ =	shalt  }
0x7b: {  	_ =	shalt  }
0x7c: {  	_ =	shalt  }
0x7d: {  	_ =	shalt  }
0x7e: {  	_ =	shalt  }
0x7f: {  	_ =	shalt  }
0x80: {  	_ =	shalt  }
0x81: {  	_ =	shalt  }
0x82: {  	_ =	shalt  }
0x83: {  	_ =	shalt  }
0x84: {  	_ =	shalt  }
0x85: {  	_ =	shalt  }
0x86: {  	_ =	shalt  }
0x87: {  	_ =	shalt  }
.Lfunc_end0:
.L_simem_size_0:
called_computation_lowered:
.L_overlay_start_0:
0x88: {  	s2 =	sld [smem:$0x3FD9]  }
0x89: {  	s3 =	sld [smem:$0x3FFE];
	_ =	sdelay $0x1  }
0x8a: {  	s1 =	srdreg.scid  }
0x8b: {  	s0 =	sand.u32 $0x1, s1  }
0x8c: {  	s18 =	sshll.u32 s0, $0xA;
	s2 =	sadd.s32 s3, s2  }
0x8d: {  	s2 =	sadd.s32 s2, s18  }
0x8e: {  	[smem:$0x3FC6] =	sst s2  }
0x8f: {  	_ = 	snop  }
0x90: {  	s2 =	sld [smem:$0x3FC9]  }
0x91: {  	s19 =	sld [smem:$0x3FC8]  }
0x92: {  	s4 =	sld [smem:$0x3FD0];
	(tm) =	ssettm $0x1  }
0x93: {  	s5 =	sld [smem:$0x3FFB];
	_ =	sdelay $0x3  }
0x94: {  	_ =	strace s5  }
0x95: {  	s5 =	sld [smem:$0x3FFC];
	_ =	sdelay $0x3  }
0x96: {  	_ =	strace s5  }
0x97: {  	s5 =	sld [smem:$0x3FFD];
	_ =	sdelay $0x3  }
0x98: {  	_ =	strace s5  }
0x99: {  	_ =	strace $0x8FFFFFFF  }
0x9a: {  	s20 =	sld [smem:$0x3FDB];
	_ =	sdelay $0x1  }
0x9b: {  	s6 =	simm.s32 $_scs_section_size  }
0x9c: {  	s7 =	simm.s32 $_size__tile_overlayer_lowered;
	s8 =	simm.s32 $_tile_overlayer_lowered  }
0x9d: {  	s23 =	simm.s32 $0x1BFF;
	s22 =	sshll.u32 s8, $0x1;
	s5 =	sadd.s32 s6, s20  }
0x9e: {  	s9 =	simm.s32 $0x0;
	s21 =	sshll.u32 s7, $0x1;
	s7 =	sadd.s32 s22, s5  }
0x9f: {  	[timem:s9], [sflag:s23] =	dma.local [hbm:s7], s21  }
0xa0: {  	_ =	swait.ge [sflag:s23], s21  }
0xa1: {  	s6 =	ssub.s32 $0x0, s21;
	[sflag:s23] =	ssyncset.done $0x0  }
0xa2: {  	[sflag:s23] =	ssyncadd.s32 s6;
	_ =	sdelay $0x1  }
0xa3: {  	s24 =	simm.s32 $0x1B8B  }
0xa4: {  	_ =	swait.ge [sflag:s24], $0x1  }
0xa5: {  	[sflag:s24] =	ssyncset.done $0x0  }
0xa6: {  	s25 =	simm.s32 $0x1B8E;
	[sflag:s24] =	ssyncadd.s32 $0xFFFFFFFF  }
0xa7: {  	s26 =	simm.s32 $execute0_lowered;
	[smem:$0x3FD2] =	sst s25  }
0xa8: {  	s6 =	sshll.u32 s26, $0x1;
	_ =	strace $0x80000046;
	[dreg:$0x1] =	wrdreg $0xFFFFFFFF  }
0xa9: {  	s28 =	simm.s32 $_size_execute0_lowered;
	s5 =	sadd.s32 s5, s6;
	[dreg:$0x0] =	wrdreg $0x0  }
0xaa: {  	s6 =	sshll.u32 s28, $0x1;
	[dreg:$0x2] =	wrdreg s5  }
0xab: {  	[dreg:$0x3] =	wrdreg s6  }
0xac: {  	[dreg:$0x4] =	wrdreg $0xC0  }
0xad: {  	_ =	task [dreg:s9], $0x5FFFF  }
0xae: {  	[dreg:$0x1] =	wrdreg $0xFFFFFFFF  }
0xaf: {  	[dreg:$0x0] =	wrdreg $0x60  }
0xb0: {  	[dreg:$0x2] =	wrdreg s2  }
0xb1: {  	[dreg:$0x3] =	wrdreg s19  }
0xb2: {  	[dreg:$0x4] =	wrdreg s4  }
0xb3: {  	[dreg:$0x5] =	wrdreg $0x0  }
0xb4: {  	[dreg:$0x6] =	wrdreg $0x9  }
0xb5: {  	_ =	task.clear_ibuf [dreg:s9], $0x7FFFF;
	_ =	strace $0x90000046  }
0xb6: {  	s29 =	simm.s32 $0x9;
	_ =	strace $0x80000048  }
0xb7: {  	_ =	swait.ge [sflag:s29], $0x1  }
0xb8: {  	[sflag:s29] =	ssyncadd.s32 $0xFFFFFFFF  }
0xb9: {  	_ =	strace $0x90000048  }
0xba: {  	_ =	sfence  }
0xbb: {  	s30 =	sld [smem:$0x0];
	_ =	sdelay $0x2  }
0xbc: {  	s31 =	sshll.u32 s1, $0xD;
	s1 =	sshrl.u32 s1, $0x2  }
0xbd: {  	s3 =	sand.u32 $0x4000, s31;
	s1 =	sadd.s32 s1, s30  }
0xbe: {  	s0 =	sor.u32 s3, s0;
	s1 =	sshll.u32 s1, $0x11  }
0xbf: {  	s0 =	sor.u32 s1, s0  }
0xc0: {  	s0 =	sadd.s32 $0x8F2B, s0  }
0xc1: {  	[sflag:s0] =	ssyncadd.remote.s32 $0x1  }
0xc2: {  	_ =	sfence.sel $0xFFFF  }
0xc3: {  	[dreg:$0x0] =	wrdreg $0xFFFFFFFF;
	(pc) =	sbr.abs _section_cstart, $3  }
0xc4: {  	[dreg:$0x1] =	wrdreg $0xFFFFFFFF  }
0xc5: {  	_ =	task.clear_ibuf [dreg:s9], $0x2FFFF;
	_ =	strace $0x9FFFFFFF  }
0xc6: {  	(tm) =	ssettm $0x7FFFFFFF  }
0xc7: {  	_ =	shalt  }
tec
execute0_lowered:
.L_overlay_start_1:
0x0: {  	(tag) =	ssettag $0x1  }
0x1: {  	s0 =	srdreg.scid  }
0x2: {  	s4 =	rddreg [dreg:$0x0];
	s9 =	sand.u32 $0x1, s0  }
0x3: {  	s5 =	rddreg [dreg:$0x1];
	s0 =	stileid.u32;
	s2 =	sshll.u32 s9, $0x5  }
0x4: {  	s16 =	smul.u32 $0x6, s0;
	s12 =	sshll.u32 s9, $0x4;
	s13 =	sxor.u32 $0x36, s2  }
0x5: {  	s6 =	rddreg [dreg:$0x2];
	s18 =	sor.u32 s0, s12;
	s1 =	smul.u32 $0x2B, s13  }
0x6: {  	s10 =	simm.s32 $0x0;
	s17 =	sxor.u32 $0x2B, s2;
	s24 =	smul.u32 $0x258000, s18  }
0x7: {  	[smem:$0x7FF] =	sst s10;
	s10 =	smin.u32 s16, s17;
	s26 =	smul.u32 $0x4B000, s18  }
0x8: {  	s19 =	sadd.s32 s2, s10;
	s10 =	smul.u32 $0x18000, s10;
	s3 =	sshrl.u32 s1, $0x8  }
0x9: {  	s13 =	sshll.u32 s18, $0x1;
	s20 =	smul.u32 $0x6000, s19;
	s1 =	ssub.s32 s0, s3  }
0xa: {  	s8 =	rddreg [dreg:$0x3];
	s21 =	ssub.s32 s13, s2;
	s1 =	smul.u32 $0x6, s1  }
0xb: {  	s30 =	sshll.u32 s0, $0x6;
	s7 =	sor.u32 $0x1A, s2;
	s23 =	smul.u32 $0x18000, s21  }
0xc: {  	p0 =	slt.u32 s0, s3;
	s22 =	sshrl.u32 s10, $0x2;
	s7 =	smin.u32 s1, s7  }
0xd: {  	s10 =	sadd.s32 s22, s8;
	s25 =	sshra.s32 s23, $0x2;
	s11 =	ssub.s32 s7, s2  }
0xe: {  	s28 =	sadd.s32 s25, s8;
	s1 =	rddreg [dreg:$0x4];
	s14 =	smul.u32 $0x18000, s11  }
0xf: {  	_ =	strace $0x80000047;
	s29 =	sadd.s32 $0x96000, s28;
	s7 =	smul.u32 $0xC00, s7  }
0x10: {  	s16 =	sadd.s32 $0x6000, s28;
	s17 =	sadd.s32 $0x9C000, s28;
	s15 =	sshra.s32 s14, $0x2  }
0x11: {  	s12 =	sshrl.u32 s28, $0x3;
	s2 =	sadd.s32 s4, s7;
	s3 =	sadd.s32 s15, s8  }
0x12: {  	s4 =	sshrl.u32 s24, $0x3;
	s14 =	sadd.s32 $0x126000, s3;
	s3 =	sshrl.u32 s20, $0x3  }
0x13: {  	s15 =	sadd.s32 s6, s4;
	s8 =	simm.s32 $0x2;
	s3 =	sadd.s32 s5, s3  }
0x14: {  	s14 =	smov.u32 @p0 s10;
	s11 =	sadd.s32 $0xC00, s3;
	s3 =	sadd.s32 s6, s26  }
0x15: {  	s6 =	sor.u32 $0x1C02, s30;
	s7 =	sshrl.u32 s14, $0x3;
	s2 =	smov.u32 @p0 s11  }
0x16: {  	[spmem:s7], [sflag:s6] =	dma.local [hbm:s2], $0x4800  }
0x17: {  	s13 =	sshrl.u32 s29, $0x3;
	s4 =	sadd.s32 $0x12C00, s15;
	_ =	swait.ge [sflag:s8], $0x4800  }
0x18: {  	s5 =	sadd.s32 $0x25800, s15;
	s10 =	sadd.s32 $0x38400, s15;
	[sflag:s8] =	ssyncset.done $0x0  }
0x19: {  	s15 =	simm.s32 $0x1;
	s14 =	sshrl.u32 s16, $0x3;
	[sflag:s8] =	ssyncadd.s32 $0xFFFFB800  }
0x1a: {  	s16 =	sshrl.u32 s17, $0x3;
	s11 =	sor.u32 $0x1C01, s30;
	[bflag:$0x0] =	sbarrier.arrive $0xFFFF  }
0x1b: {  	[hbm:s3], [sflag:s11] =	dma.local [spmem:s12], $0x12C00  }
0x1c: {  	[hbm:s4], [sflag:s11] =	dma.local [spmem:s13], $0x12C00  }
0x1d: {  	[hbm:s5], [sflag:s11] =	dma.local [spmem:s14], $0x12C00  }
0x1e: {  	[hbm:s10], [sflag:s11] =	dma.local [spmem:s16], $0x12C00  }
0x1f: {  	_ =	swait.ge [sflag:s15], $0x12C00  }
0x20: {  	s9 =	ssub.s32 $0x2, s9;
	[sflag:s15] =	ssyncset.done $0x0  }
0x21: {  	s31 =	sshrl.u32 s9, $0x1;
	[sflag:s15] =	ssyncadd.s32 $0xFFFED400  }
0x22: {  	s9 =	ssub.s32 s9, s31;
	_ =	swait.ge [sflag:s15], $0x12C00  }
0x23: {  	s9 =	smax.u32 s9, $0x1;
	[sflag:s15] =	ssyncset.done $0x0  }
0x24: {  	p0 =	sne.s32 s9, $0x1;
	[sflag:s15] =	ssyncadd.s32 $0xFFFED400  }
.Ltmp0:
0x25: {  	_ =	swait.ge [sflag:s15], $0x12C00;
	(pc) =	sbr.rel @!p0 .LBB2_2-.Ltmp0, $4  }
0x26: {  	[sflag:s15] =	ssyncset.done $0x0  }
0x27: {  	[sflag:s15] =	ssyncadd.s32 $0xFFFED400  }
0x28: {  	_ =	swait.ge [sflag:s15], $0x12C00  }
0x29: {  	s9 =	sadd.s32 $0xFFFFFFFF, s9;
	[sflag:s15] =	ssyncset.done $0x0  }
.LBB2_1:
0x2a: {  	p0 =	sne.s32 s9, $0x1;
	s9 =	sadd.s32 $0xFFFFFFFF, s9;
	[sflag:s15] =	ssyncadd.s32 $0xFFFED400  }
0x2b: {  	[spmem:s7], [sflag:s6] =	dma.local [hbm:s2], $0x4800  }
0x2c: {  	_ =	swait.ge [sflag:s8], $0x4800  }
0x2d: {  	[sflag:s8] =	ssyncset.done $0x0  }
0x2e: {  	[sflag:s8] =	ssyncadd.s32 $0xFFFFB800  }
0x2f: {  	[bflag:$0x0] =	sbarrier.arrive $0xFFFF  }
0x30: {  	[hbm:s3], [sflag:s11] =	dma.local [spmem:s12], $0x12C00  }
0x31: {  	[hbm:s4], [sflag:s11] =	dma.local [spmem:s13], $0x12C00  }
0x32: {  	[hbm:s5], [sflag:s11] =	dma.local [spmem:s14], $0x12C00  }
0x33: {  	[hbm:s10], [sflag:s11] =	dma.local [spmem:s16], $0x12C00  }
0x34: {  	_ =	swait.ge [sflag:s15], $0x12C00  }
0x35: {  	[sflag:s15] =	ssyncset.done $0x0  }
0x36: {  	[sflag:s15] =	ssyncadd.s32 $0xFFFED400  }
0x37: {  	_ =	swait.ge [sflag:s15], $0x12C00  }
0x38: {  	[sflag:s15] =	ssyncset.done $0x0  }
0x39: {  	[sflag:s15] =	ssyncadd.s32 $0xFFFED400  }
.Ltmp1:
0x3a: {  	_ =	swait.ge [sflag:s15], $0x12C00;
	(pc) =	sbr.rel @p0 .LBB2_1-.Ltmp1, $4  }
0x3b: {  	[sflag:s15] =	ssyncset.done $0x0  }
0x3c: {  	[sflag:s15] =	ssyncadd.s32 $0xFFFED400  }
0x3d: {  	_ =	swait.ge [sflag:s15], $0x12C00  }
0x3e: {  	[sflag:s15] =	ssyncset.done $0x0  }
.LBB2_2:
0x3f: {  	[sflag:s15] =	ssyncadd.s32 $0xFFFED400  }
0x40: {  	_ =	sfence.sel $0x180000  }
0x41: {  	[bflag:$0x0] =	sbarrier.arrive $0xFFFF  }
0x42: {  	p0 =	sne.s32 s0, $0x0;
	_ =	strace $0x90000047  }
0x43: {  	s0 =	sadd.s32 @!p0 $0x100000, s1;
	[bflag:$0x2] =	sbarrier.arrive $0xFFFF  }
0x44: {  	[sflag:s0] =	ssyncadd.tile.s32 @!p0 $0x1;
	_ =	shalt  }
.Lfunc_end2:
_tile_overlayer_lowered:
.L_overlay_start_2:
0x45: {  	(tag) =	ssettag $0x2  }
0x46: {  	s0 =	rddreg [dreg:$0x0];
	s2 =	stileid.u32  }
0x47: {  	s1 =	rddreg [dreg:$0x1];
	p0 =	sne.s32 s2, $0x0  }
0x48: {  	s3 =	rddreg [dreg:$0x2];
	[bflag:$0x3] =	sbarrier.arrive $0xFFFF;
	s2 =	simm.s32 @!p0 $0x1C02  }
0x49: {  	[timem:s3], [sflag:s2] =	dma.local @!p0 [hbm:s0], s1  }
0x4a: {  	s0 =	simm.s32 @!p0 $0x2  }
0x4b: {  	_ =	swait.ge @!p0 [sflag:s0], s1  }
0x4c: {  	s1 =	ssub.s32 @!p0 $0x0, s1;
	[sflag:s0] =	ssyncset.done @!p0 $0x0  }
0x4d: {  	[sflag:s0] =	ssyncadd.s32 @!p0 s1  }
0x4e: {  	[bflag:$0x3] =	sbarrier.arrive $0xFFFF  }
0x4f: {  	_ =	shalt  }

</sc_bundles>
